<compile_context>
chip_gen: v7x
topology: tpu7x:2x2x1
jax: 0.10.2.dev20260603
libtpu: 0.0.44.dev20260713+nightly
codegen_flags: <defaults>
</compile_context>

<pallas_src>
import functools

import jax
import jax.numpy as jnp
from jax import lax
from jax.experimental import pallas as pl
from jax.experimental.pallas import tpu as pltpu
import jax.experimental.pallas.tpu_sc as plsc

N = 10000
D = 128
E = 320000
NC = 2
NS = 16
CH = 80
NCHUNK = E // (NC * NS * CH)
RPT = 624
TAIL = N - NS * RPT

_mesh = plsc.VectorSubcoreMesh(
    core_axis_name="c", subcore_axis_name="s", num_cores=NC, num_subcores=NS
)


@functools.partial(
    pl.kernel,
    out_type=jax.ShapeDtypeStruct((NC, N, D), jnp.float32),
    mesh=_mesh,
    scratch_types=[
        pltpu.VMEM((NCHUNK, CH), jnp.int32),
        pltpu.VMEM((NCHUNK, CH), jnp.int32),
        pltpu.VMEM((CH, D), jnp.float32),
        pltpu.VMEM_SHARED((N, D), jnp.float32),
        pltpu.SemaphoreType.DMA,
    ],
)
def _sc_agg(x_hbm, src_hbm, dst_hbm, out_hbm, src_v, dst_v, buf, acc, gsem):
    c = lax.axis_index("c")
    s = lax.axis_index("s")
    r0 = s * RPT

    pltpu.sync_copy(src_hbm.at[c, s], src_v)
    pltpu.sync_copy(dst_hbm.at[c, s], dst_v)
    pltpu.sync_copy(x_hbm.at[pl.ds(r0, RPT)], acc.at[pl.ds(r0, RPT)])

    @pl.when(s == NS - 1)
    def _():
        pltpu.sync_copy(x_hbm.at[pl.ds(NS * RPT, TAIL)], acc.at[pl.ds(NS * RPT, TAIL)])

    plsc.subcore_barrier()

    def body(j, carry):
        pltpu.async_copy(x_hbm.at[src_v.at[j]], buf, gsem).wait()
        pltpu.sync_copy(buf, acc.at[dst_v.at[j]], add=True)
        return carry

    lax.fori_loop(0, NCHUNK, body, 0)

    plsc.subcore_barrier()
    pltpu.sync_copy(acc.at[pl.ds(r0, RPT)], out_hbm.at[c, pl.ds(r0, RPT)])

    @pl.when(s == NS - 1)
    def _():
        pltpu.sync_copy(
            acc.at[pl.ds(NS * RPT, TAIL)], out_hbm.at[c, pl.ds(NS * RPT, TAIL)]
        )


BN = 2000


def _tc_body(p_ref, x_ref, deg_ref, w_ref, b_ref, o_ref):
    pool = p_ref[0] + p_ref[1] - x_ref[...]
    y = lax.dot_general(
        pool, w_ref[...], (((1,), (1,)), ((), ())),
        preferred_element_type=jnp.float32,
    )
    y = (y + b_ref[...]) / deg_ref[...]
    o_ref[...] = jnp.tanh(y)


def _tc_finish(parts, x, deg, W, b2):
    return pl.pallas_call(
        _tc_body,
        grid=(N // BN,),
        in_specs=[
            pl.BlockSpec((NC, BN, D), lambda i: (0, i, 0)),
            pl.BlockSpec((BN, D), lambda i: (i, 0)),
            pl.BlockSpec((BN, 1), lambda i: (i, 0)),
            pl.BlockSpec((D, D), lambda i: (0, 0)),
            pl.BlockSpec((1, D), lambda i: (0, 0)),
        ],
        out_specs=pl.BlockSpec((BN, D), lambda i: (i, 0)),
        out_shape=jax.ShapeDtypeStruct((N, D), jnp.float32),
    )(parts, x, deg, W, b2)


def kernel(input_tensor, edge_index, node_degree_matrix, W, b):
    src = edge_index[0].astype(jnp.int32).reshape(NC, NS, NCHUNK, CH)
    dst = edge_index[1].astype(jnp.int32).reshape(NC, NS, NCHUNK, CH)
    parts = _sc_agg(input_tensor, src, dst)
    return _tc_finish(parts, input_tensor, node_degree_matrix, W, b.reshape(1, D))

# --- scband reference (transcript-rebuilt; emitter-appended) ---
"""Pipeline reference for scband-graph-convolution-layer-dgcnn-23605140259236 (READ-ONLY COPY).

The authoritative reference and input builder live on the scoring server;
editing this copy changes nothing except your own understanding.
"""

import jax, jax.numpy as jnp
import numpy as np

N = 10000
E = 320000
D_IN = 128
D_OUT = 128

def setup_inputs(seed: int = 0) -> dict:
    key = jax.random.key(seed)
    k1, k2, k3, k4 = jax.random.split(key, 4)
    input_tensor = jax.random.normal(k1, (N, D_IN), dtype=jnp.float32)
    edge_index = jax.random.randint(k2, (2, E), 0, N, dtype=jnp.int64)
    # node degree (add 1 for the self-loop implied by '+ input_tensor')
    deg = jnp.zeros((N,), dtype=jnp.float32).at[edge_index[1]].add(1.0) + 1.0
    node_degree_matrix = deg.reshape(N, 1)
    # Linear layer params (torch nn.Linear: y = x @ W.T + b)
    bound = 1.0 / np.sqrt(D_IN)
    W = jax.random.uniform(k3, (D_OUT, D_IN), dtype=jnp.float32, minval=-bound, maxval=bound)
    b = jax.random.uniform(k4, (D_OUT,), dtype=jnp.float32, minval=-bound, maxval=bound)
    return {"input_tensor": input_tensor, "edge_index": edge_index,
            "node_degree_matrix": node_degree_matrix, "W": W, "b": b}

def reference(input_tensor, edge_index, node_degree_matrix, W, b):
    src = edge_index[0]
    dst = edge_index[1]
    # gnn_spmm(A, X): sparse adjacency matmul == gather from src, scatter-add to dst
    msgs = jnp.take(input_tensor, src, axis=0)
    agg = jnp.zeros_like(input_tensor).at[dst].add(msgs)
    adjacency_matrixpool = agg + input_tensor
    node_linear = adjacency_matrixpool @ W.T + b
    normalized_linear = node_linear / node_degree_matrix
    output_tensor = jnp.tanh(normalized_linear)
    return output_tensor

if __name__ == "__main__":
    import jax
    _d = setup_inputs()
    print(jax.jit(kernel)(*tuple(_d.values())))

</pallas_src>

<mosaic_0001>
#map = affine_map<(d0, d1) -> (0, 0)>
#map1 = affine_map<(d0, d1) -> (0, 0, 0, 0)>
#map2 = affine_map<(d0, d1) -> (0, 0, 0)>
module attributes {stable_mosaic.version = 14 : i64} {
  func.func @_sc_agg(%arg0: i32, %arg1: i32, %arg2: memref<10000x128xf32, #tpu.memory_space<hbm>>, %arg3: memref<2x16x125x80xi32, #tpu.memory_space<hbm>>, %arg4: memref<2x16x125x80xi32, #tpu.memory_space<hbm>>, %arg5: memref<2x10000x128xf32, #tpu.memory_space<hbm>>, %arg6: memref<125x80xi32, #tpu.memory_space<vmem>>, %arg7: memref<125x80xi32, #tpu.memory_space<vmem>>, %arg8: memref<80x128xf32, #tpu.memory_space<vmem>>, %arg9: memref<10000x128xf32, #tpu.memory_space<vmem_shared>>, %arg10: memref<!tpu.dma_semaphore, #tpu.memory_space<semaphore_mem>>) attributes {dimension_semantics = [#tpu.dimension_semantics<core_parallel>, #tpu.dimension_semantics<subcore_parallel>], iteration_bounds = array<i64: 2, 16>, scalar_prefetch = 0 : i64, scratch_operands = 5 : i64, tpu.core_type = #tpu.core_type<sc_vector_subcore>, window_params = [{transform_indices = #map}, {transform_indices = #map1}, {transform_indices = #map1}, {transform_indices = #map2}]} {
    %mul3A = arith.constant 624 : i32
    %mul3A_0 = arith.muli %arg1, %mul3A : i32
    "tpu.region"() ({
      %run_scoped3A = tpu.sem_alloc : memref<!tpu.dma_semaphore, #tpu.memory_space<semaphore_mem>>
      %dma_start3A = arith.constant 0 : i32
      %dma_start3A_14 = arith.constant 0 : i32
      %dma_start3A_15 = tpu.memref_slice %arg3[%arg0, %arg1, %dma_start3A, %dma_start3A_14] : memref<2x16x125x80xi32, #tpu.memory_space<hbm>> -> memref<1x1x125x80xi32, #tpu.memory_space<hbm>>
      %dma_start3A_16 = tpu.memref_squeeze %dma_start3A_15 : memref<1x1x125x80xi32, #tpu.memory_space<hbm>> -> memref<125x80xi32, #tpu.memory_space<hbm>>
      %dma_start3A_17 = arith.constant 0 : i32
      %dma_start3A_18 = arith.constant 0 : i32
      %dma_start3A_19 = tpu.memref_slice %arg3[%arg0, %arg1, %dma_start3A_17, %dma_start3A_18] : memref<2x16x125x80xi32, #tpu.memory_space<hbm>> -> memref<1x1x125x80xi32, #tpu.memory_space<hbm>>
      %dma_start3A_20 = tpu.memref_squeeze %dma_start3A_19 : memref<1x1x125x80xi32, #tpu.memory_space<hbm>> -> memref<125x80xi32, #tpu.memory_space<hbm>>
      tpu.enqueue_dma source(%dma_start3A_20 : memref<125x80xi32, #tpu.memory_space<hbm>>) target(%arg6 : memref<125x80xi32, #tpu.memory_space<vmem>>) target_semaphore(%run_scoped3A : memref<!tpu.dma_semaphore, #tpu.memory_space<semaphore_mem>>)
      %dma_wait3A = arith.constant 0 : i32
      %dma_wait3A_21 = arith.constant 0 : i32
      %dma_wait3A_22 = tpu.memref_slice %arg3[%arg0, %arg1, %dma_wait3A, %dma_wait3A_21] : memref<2x16x125x80xi32, #tpu.memory_space<hbm>> -> memref<1x1x125x80xi32, #tpu.memory_space<hbm>>
      %dma_wait3A_23 = tpu.memref_squeeze %dma_wait3A_22 : memref<1x1x125x80xi32, #tpu.memory_space<hbm>> -> memref<125x80xi32, #tpu.memory_space<hbm>>
      %dma_wait3A_24 = arith.constant 0 : i32
      %dma_wait3A_25 = arith.constant 0 : i32
      %dma_wait3A_26 = tpu.memref_slice %arg3[%arg0, %arg1, %dma_wait3A_24, %dma_wait3A_25] : memref<2x16x125x80xi32, #tpu.memory_space<hbm>> -> memref<1x1x125x80xi32, #tpu.memory_space<hbm>>
      %dma_wait3A_27 = tpu.memref_squeeze %dma_wait3A_26 : memref<1x1x125x80xi32, #tpu.memory_space<hbm>> -> memref<125x80xi32, #tpu.memory_space<hbm>>
      tpu.wait_dma2 semaphore(%run_scoped3A : memref<!tpu.dma_semaphore, #tpu.memory_space<semaphore_mem>>) src(%dma_wait3A_27 : memref<125x80xi32, #tpu.memory_space<hbm>>) dst(%arg6 : memref<125x80xi32, #tpu.memory_space<vmem>>)
      tpu.yield
    }) : () -> ()
    "tpu.region"() ({
      %run_scoped3A = tpu.sem_alloc : memref<!tpu.dma_semaphore, #tpu.memory_space<semaphore_mem>>
      %dma_start3A = arith.constant 0 : i32
      %dma_start3A_14 = arith.constant 0 : i32
      %dma_start3A_15 = tpu.memref_slice %arg4[%arg0, %arg1, %dma_start3A, %dma_start3A_14] : memref<2x16x125x80xi32, #tpu.memory_space<hbm>> -> memref<1x1x125x80xi32, #tpu.memory_space<hbm>>
      %dma_start3A_16 = tpu.memref_squeeze %dma_start3A_15 : memref<1x1x125x80xi32, #tpu.memory_space<hbm>> -> memref<125x80xi32, #tpu.memory_space<hbm>>
      %dma_start3A_17 = arith.constant 0 : i32
      %dma_start3A_18 = arith.constant 0 : i32
      %dma_start3A_19 = tpu.memref_slice %arg4[%arg0, %arg1, %dma_start3A_17, %dma_start3A_18] : memref<2x16x125x80xi32, #tpu.memory_space<hbm>> -> memref<1x1x125x80xi32, #tpu.memory_space<hbm>>
      %dma_start3A_20 = tpu.memref_squeeze %dma_start3A_19 : memref<1x1x125x80xi32, #tpu.memory_space<hbm>> -> memref<125x80xi32, #tpu.memory_space<hbm>>
      tpu.enqueue_dma source(%dma_start3A_20 : memref<125x80xi32, #tpu.memory_space<hbm>>) target(%arg7 : memref<125x80xi32, #tpu.memory_space<vmem>>) target_semaphore(%run_scoped3A : memref<!tpu.dma_semaphore, #tpu.memory_space<semaphore_mem>>)
      %dma_wait3A = arith.constant 0 : i32
      %dma_wait3A_21 = arith.constant 0 : i32
      %dma_wait3A_22 = tpu.memref_slice %arg4[%arg0, %arg1, %dma_wait3A, %dma_wait3A_21] : memref<2x16x125x80xi32, #tpu.memory_space<hbm>> -> memref<1x1x125x80xi32, #tpu.memory_space<hbm>>
      %dma_wait3A_23 = tpu.memref_squeeze %dma_wait3A_22 : memref<1x1x125x80xi32, #tpu.memory_space<hbm>> -> memref<125x80xi32, #tpu.memory_space<hbm>>
      %dma_wait3A_24 = arith.constant 0 : i32
      %dma_wait3A_25 = arith.constant 0 : i32
      %dma_wait3A_26 = tpu.memref_slice %arg4[%arg0, %arg1, %dma_wait3A_24, %dma_wait3A_25] : memref<2x16x125x80xi32, #tpu.memory_space<hbm>> -> memref<1x1x125x80xi32, #tpu.memory_space<hbm>>
      %dma_wait3A_27 = tpu.memref_squeeze %dma_wait3A_26 : memref<1x1x125x80xi32, #tpu.memory_space<hbm>> -> memref<125x80xi32, #tpu.memory_space<hbm>>
      tpu.wait_dma2 semaphore(%run_scoped3A : memref<!tpu.dma_semaphore, #tpu.memory_space<semaphore_mem>>) src(%dma_wait3A_27 : memref<125x80xi32, #tpu.memory_space<hbm>>) dst(%arg7 : memref<125x80xi32, #tpu.memory_space<vmem>>)
      tpu.yield
    }) : () -> ()
    "tpu.region"() ({
      %run_scoped3A = tpu.sem_alloc : memref<!tpu.dma_semaphore, #tpu.memory_space<semaphore_mem>>
      %dma_start3A = arith.constant 0 : i32
      %dma_start3A_14 = tpu.memref_slice %arg9[%mul3A_0, %dma_start3A] : memref<10000x128xf32, #tpu.memory_space<vmem_shared>> -> memref<624x128xf32, #tpu.memory_space<vmem_shared>>
      %dma_start3A_15 = arith.constant 0 : i32
      %dma_start3A_16 = tpu.memref_slice %arg2[%mul3A_0, %dma_start3A_15] : memref<10000x128xf32, #tpu.memory_space<hbm>> -> memref<624x128xf32, #tpu.memory_space<hbm>>
      tpu.enqueue_dma source(%dma_start3A_16 : memref<624x128xf32, #tpu.memory_space<hbm>>) target(%dma_start3A_14 : memref<624x128xf32, #tpu.memory_space<vmem_shared>>) target_semaphore(%run_scoped3A : memref<!tpu.dma_semaphore, #tpu.memory_space<semaphore_mem>>)
      %dma_wait3A = arith.constant 0 : i32
      %dma_wait3A_17 = tpu.memref_slice %arg9[%mul3A_0, %dma_wait3A] : memref<10000x128xf32, #tpu.memory_space<vmem_shared>> -> memref<624x128xf32, #tpu.memory_space<vmem_shared>>
      %dma_wait3A_18 = arith.constant 0 : i32
      %dma_wait3A_19 = tpu.memref_slice %arg2[%mul3A_0, %dma_wait3A_18] : memref<10000x128xf32, #tpu.memory_space<hbm>> -> memref<624x128xf32, #tpu.memory_space<hbm>>
      tpu.wait_dma2 semaphore(%run_scoped3A : memref<!tpu.dma_semaphore, #tpu.memory_space<semaphore_mem>>) src(%dma_wait3A_19 : memref<624x128xf32, #tpu.memory_space<hbm>>) dst(%dma_wait3A_17 : memref<624x128xf32, #tpu.memory_space<vmem_shared>>)
      tpu.yield
    }) : () -> ()
    %eq3A = arith.constant 15 : i32
    %eq3A_1 = arith.cmpi eq, %arg1, %eq3A : i32
    %convert_element_type3A = arith.extui %eq3A_1 : i1 to i32
    %cond3A = arith.constant 0 : i32
    %cond3A_2 = arith.cmpi ne, %convert_element_type3A, %cond3A : i32
    scf.if %cond3A_2 {
      "tpu.region"() ({
        %run_scoped3A = tpu.sem_alloc : memref<!tpu.dma_semaphore, #tpu.memory_space<semaphore_mem>>
        %dma_start3A = arith.constant 9984 : i32
        %dma_start3A_14 = arith.constant 0 : i32
        %dma_start3A_15 = tpu.memref_slice %arg9[%dma_start3A, %dma_start3A_14] : memref<10000x128xf32, #tpu.memory_space<vmem_shared>> -> memref<16x128xf32, #tpu.memory_space<vmem_shared>>
        %dma_start3A_16 = arith.constant 9984 : i32
        %dma_start3A_17 = arith.constant 0 : i32
        %dma_start3A_18 = tpu.memref_slice %arg2[%dma_start3A_16, %dma_start3A_17] : memref<10000x128xf32, #tpu.memory_space<hbm>> -> memref<16x128xf32, #tpu.memory_space<hbm>>
        tpu.enqueue_dma source(%dma_start3A_18 : memref<16x128xf32, #tpu.memory_space<hbm>>) target(%dma_start3A_15 : memref<16x128xf32, #tpu.memory_space<vmem_shared>>) target_semaphore(%run_scoped3A : memref<!tpu.dma_semaphore, #tpu.memory_space<semaphore_mem>>)
        %dma_wait3A = arith.constant 9984 : i32
        %dma_wait3A_19 = arith.constant 0 : i32
        %dma_wait3A_20 = tpu.memref_slice %arg9[%dma_wait3A, %dma_wait3A_19] : memref<10000x128xf32, #tpu.memory_space<vmem_shared>> -> memref<16x128xf32, #tpu.memory_space<vmem_shared>>
        %dma_wait3A_21 = arith.constant 9984 : i32
        %dma_wait3A_22 = arith.constant 0 : i32
        %dma_wait3A_23 = tpu.memref_slice %arg2[%dma_wait3A_21, %dma_wait3A_22] : memref<10000x128xf32, #tpu.memory_space<hbm>> -> memref<16x128xf32, #tpu.memory_space<hbm>>
        tpu.wait_dma2 semaphore(%run_scoped3A : memref<!tpu.dma_semaphore, #tpu.memory_space<semaphore_mem>>) src(%dma_wait3A_23 : memref<16x128xf32, #tpu.memory_space<hbm>>) dst(%dma_wait3A_20 : memref<16x128xf32, #tpu.memory_space<vmem_shared>>)
        tpu.yield
      }) : () -> ()
    } else {
    }
    %barrier3A = arith.constant 0 : index
    tpu.barrier barrier_id(%barrier3A)
    %scan3A = arith.constant 0 : i32
    %scan3A_3 = arith.constant 0 : i32
    %scan3A_4 = arith.constant 125 : i32
    %scan3A_5 = arith.addi %scan3A_3, %scan3A_4 : i32
    %scan3A_6 = arith.constant 1 : i32
    scf.for %scan3A_14 = %scan3A_3 to %scan3A_5 step %scan3A_6  : i32 {
      %dma_start3A = arith.constant 0 : i32
      %dma_start3A_15 = tpu.memref_slice %arg6[%scan3A_14, %dma_start3A] : memref<125x80xi32, #tpu.memory_space<vmem>> -> memref<1x80xi32, #tpu.memory_space<vmem>>
      %dma_start3A_16 = tpu.memref_squeeze %dma_start3A_15 : memref<1x80xi32, #tpu.memory_space<vmem>> -> memref<80xi32, #tpu.memory_space<vmem>>
      %dma_start3A_17 = arith.constant 0 : i32
      %dma_start3A_18 = arith.constant 0 : i32
      %dma_start3A_19 = tpu.memref_slice %arg2[%dma_start3A_17, %dma_start3A_18] : memref<10000x128xf32, #tpu.memory_space<hbm>> -> memref<10000x128xf32, #tpu.memory_space<hbm>>
      tpu.enqueue_indirect_dma source(%dma_start3A_19 : memref<10000x128xf32, #tpu.memory_space<hbm>>) target(%arg8 : memref<80x128xf32, #tpu.memory_space<vmem>>) offsets(%dma_start3A_16 : memref<80xi32, #tpu.memory_space<vmem>>) semaphore(%arg10 : memref<!tpu.dma_semaphore, #tpu.memory_space<semaphore_mem>>)
      %dma_wait3A = arith.constant 0 : i32
      %dma_wait3A_20 = tpu.memref_slice %arg6[%scan3A_14, %dma_wait3A] : memref<125x80xi32, #tpu.memory_space<vmem>> -> memref<1x80xi32, #tpu.memory_space<vmem>>
      %dma_wait3A_21 = tpu.memref_squeeze %dma_wait3A_20 : memref<1x80xi32, #tpu.memory_space<vmem>> -> memref<80xi32, #tpu.memory_space<vmem>>
      %dma_wait3A_22 = arith.constant 0 : i32
      %dma_wait3A_23 = arith.constant 0 : i32
      %dma_wait3A_24 = tpu.memref_slice %arg2[%dma_wait3A_22, %dma_wait3A_23] : memref<10000x128xf32, #tpu.memory_space<hbm>> -> memref<10000x128xf32, #tpu.memory_space<hbm>>
      tpu.wait_indirect_dma semaphore(%arg10 : memref<!tpu.dma_semaphore, #tpu.memory_space<semaphore_mem>>) src(%dma_wait3A_24 : memref<10000x128xf32, #tpu.memory_space<hbm>>) dst(%arg8 : memref<80x128xf32, #tpu.memory_space<vmem>>)
      "tpu.region"() ({
        %run_scoped3A = tpu.sem_alloc : memref<!tpu.dma_semaphore, #tpu.memory_space<semaphore_mem>>
        %dma_start3A_25 = arith.constant 0 : i32
        %dma_start3A_26 = tpu.memref_slice %arg7[%scan3A_14, %dma_start3A_25] : memref<125x80xi32, #tpu.memory_space<vmem>> -> memref<1x80xi32, #tpu.memory_space<vmem>>
        %dma_start3A_27 = tpu.memref_squeeze %dma_start3A_26 : memref<1x80xi32, #tpu.memory_space<vmem>> -> memref<80xi32, #tpu.memory_space<vmem>>
        %dma_start3A_28 = arith.constant 0 : i32
        %dma_start3A_29 = arith.constant 0 : i32
        %dma_start3A_30 = tpu.memref_slice %arg9[%dma_start3A_28, %dma_start3A_29] : memref<10000x128xf32, #tpu.memory_space<vmem_shared>> -> memref<10000x128xf32, #tpu.memory_space<vmem_shared>>
        tpu.enqueue_indirect_dma source(%arg8 : memref<80x128xf32, #tpu.memory_space<vmem>>) target(%dma_start3A_30 : memref<10000x128xf32, #tpu.memory_space<vmem_shared>>) offsets(%dma_start3A_27 : memref<80xi32, #tpu.memory_space<vmem>>) semaphore(%run_scoped3A : memref<!tpu.dma_semaphore, #tpu.memory_space<semaphore_mem>>) {add = true}
        %dma_wait3A_31 = arith.constant 0 : i32
        %dma_wait3A_32 = tpu.memref_slice %arg7[%scan3A_14, %dma_wait3A_31] : memref<125x80xi32, #tpu.memory_space<vmem>> -> memref<1x80xi32, #tpu.memory_space<vmem>>
        %dma_wait3A_33 = tpu.memref_squeeze %dma_wait3A_32 : memref<1x80xi32, #tpu.memory_space<vmem>> -> memref<80xi32, #tpu.memory_space<vmem>>
        %dma_wait3A_34 = arith.constant 0 : i32
        %dma_wait3A_35 = arith.constant 0 : i32
        %dma_wait3A_36 = tpu.memref_slice %arg9[%dma_wait3A_34, %dma_wait3A_35] : memref<10000x128xf32, #tpu.memory_space<vmem_shared>> -> memref<10000x128xf32, #tpu.memory_space<vmem_shared>>
        tpu.wait_indirect_dma semaphore(%run_scoped3A : memref<!tpu.dma_semaphore, #tpu.memory_space<semaphore_mem>>) src(%arg8 : memref<80x128xf32, #tpu.memory_space<vmem>>) dst(%dma_wait3A_36 : memref<10000x128xf32, #tpu.memory_space<vmem_shared>>)
        tpu.yield
      }) : () -> ()
    }
    %scan3A_7 = arith.constant 125 : i32
    %barrier3A_8 = arith.constant 0 : index
    tpu.barrier barrier_id(%barrier3A_8)
    "tpu.region"() ({
      %run_scoped3A = tpu.sem_alloc : memref<!tpu.dma_semaphore, #tpu.memory_space<semaphore_mem>>
      %dma_start3A = arith.constant 0 : i32
      %dma_start3A_14 = tpu.memref_slice %arg5[%arg0, %mul3A_0, %dma_start3A] : memref<2x10000x128xf32, #tpu.memory_space<hbm>> -> memref<1x624x128xf32, #tpu.memory_space<hbm>>
      %dma_start3A_15 = tpu.memref_squeeze %dma_start3A_14 : memref<1x624x128xf32, #tpu.memory_space<hbm>> -> memref<624x128xf32, #tpu.memory_space<hbm>>
      %dma_start3A_16 = arith.constant 0 : i32
      %dma_start3A_17 = tpu.memref_slice %arg9[%mul3A_0, %dma_start3A_16] : memref<10000x128xf32, #tpu.memory_space<vmem_shared>> -> memref<624x128xf32, #tpu.memory_space<vmem_shared>>
      tpu.enqueue_dma source(%dma_start3A_17 : memref<624x128xf32, #tpu.memory_space<vmem_shared>>) target(%dma_start3A_15 : memref<624x128xf32, #tpu.memory_space<hbm>>) target_semaphore(%run_scoped3A : memref<!tpu.dma_semaphore, #tpu.memory_space<semaphore_mem>>)
      %dma_wait3A = arith.constant 0 : i32
      %dma_wait3A_18 = tpu.memref_slice %arg5[%arg0, %mul3A_0, %dma_wait3A] : memref<2x10000x128xf32, #tpu.memory_space<hbm>> -> memref<1x624x128xf32, #tpu.memory_space<hbm>>
      %dma_wait3A_19 = tpu.memref_squeeze %dma_wait3A_18 : memref<1x624x128xf32, #tpu.memory_space<hbm>> -> memref<624x128xf32, #tpu.memory_space<hbm>>
      %dma_wait3A_20 = arith.constant 0 : i32
      %dma_wait3A_21 = tpu.memref_slice %arg9[%mul3A_0, %dma_wait3A_20] : memref<10000x128xf32, #tpu.memory_space<vmem_shared>> -> memref<624x128xf32, #tpu.memory_space<vmem_shared>>
      tpu.wait_dma2 semaphore(%run_scoped3A : memref<!tpu.dma_semaphore, #tpu.memory_space<semaphore_mem>>) src(%dma_wait3A_21 : memref<624x128xf32, #tpu.memory_space<vmem_shared>>) dst(%dma_wait3A_19 : memref<624x128xf32, #tpu.memory_space<hbm>>)
      tpu.yield
    }) : () -> ()
    %eq3A_9 = arith.constant 15 : i32
    %eq3A_10 = arith.cmpi eq, %arg1, %eq3A_9 : i32
    %convert_element_type3A_11 = arith.extui %eq3A_10 : i1 to i32
    %cond3A_12 = arith.constant 0 : i32
    %cond3A_13 = arith.cmpi ne, %convert_element_type3A_11, %cond3A_12 : i32
    scf.if %cond3A_13 {
      "tpu.region"() ({
        %run_scoped3A = tpu.sem_alloc : memref<!tpu.dma_semaphore, #tpu.memory_space<semaphore_mem>>
        %dma_start3A = arith.constant 9984 : i32
        %dma_start3A_14 = arith.constant 0 : i32
        %dma_start3A_15 = tpu.memref_slice %arg5[%arg0, %dma_start3A, %dma_start3A_14] : memref<2x10000x128xf32, #tpu.memory_space<hbm>> -> memref<1x16x128xf32, #tpu.memory_space<hbm>>
        %dma_start3A_16 = tpu.memref_squeeze %dma_start3A_15 : memref<1x16x128xf32, #tpu.memory_space<hbm>> -> memref<16x128xf32, #tpu.memory_space<hbm>>
        %dma_start3A_17 = arith.constant 9984 : i32
        %dma_start3A_18 = arith.constant 0 : i32
        %dma_start3A_19 = tpu.memref_slice %arg9[%dma_start3A_17, %dma_start3A_18] : memref<10000x128xf32, #tpu.memory_space<vmem_shared>> -> memref<16x128xf32, #tpu.memory_space<vmem_shared>>
        tpu.enqueue_dma source(%dma_start3A_19 : memref<16x128xf32, #tpu.memory_space<vmem_shared>>) target(%dma_start3A_16 : memref<16x128xf32, #tpu.memory_space<hbm>>) target_semaphore(%run_scoped3A : memref<!tpu.dma_semaphore, #tpu.memory_space<semaphore_mem>>)
        %dma_wait3A = arith.constant 9984 : i32
        %dma_wait3A_20 = arith.constant 0 : i32
        %dma_wait3A_21 = tpu.memref_slice %arg5[%arg0, %dma_wait3A, %dma_wait3A_20] : memref<2x10000x128xf32, #tpu.memory_space<hbm>> -> memref<1x16x128xf32, #tpu.memory_space<hbm>>
        %dma_wait3A_22 = tpu.memref_squeeze %dma_wait3A_21 : memref<1x16x128xf32, #tpu.memory_space<hbm>> -> memref<16x128xf32, #tpu.memory_space<hbm>>
        %dma_wait3A_23 = arith.constant 9984 : i32
        %dma_wait3A_24 = arith.constant 0 : i32
        %dma_wait3A_25 = tpu.memref_slice %arg9[%dma_wait3A_23, %dma_wait3A_24] : memref<10000x128xf32, #tpu.memory_space<vmem_shared>> -> memref<16x128xf32, #tpu.memory_space<vmem_shared>>
        tpu.wait_dma2 semaphore(%run_scoped3A : memref<!tpu.dma_semaphore, #tpu.memory_space<semaphore_mem>>) src(%dma_wait3A_25 : memref<16x128xf32, #tpu.memory_space<vmem_shared>>) dst(%dma_wait3A_22 : memref<16x128xf32, #tpu.memory_space<hbm>>)
        tpu.yield
      }) : () -> ()
    } else {
    }
    return
  }
}

module attributes {stable_mosaic.version = 14 : i64} {
  func.func @_tc_body(%arg0: i32, %arg1: memref<2x2000x128xf32, #tpu.memory_space<vmem>>, %arg2: memref<2000x128xf32, #tpu.memory_space<vmem>>, %arg3: memref<2000x1xf32, #tpu.memory_space<vmem>>, %arg4: memref<128x128xf32, #tpu.memory_space<vmem>>, %arg5: memref<1x128xf32, #tpu.memory_space<vmem>>, %arg6: memref<2000x128xf32, #tpu.memory_space<vmem>>) attributes {dimension_semantics = [#tpu.dimension_semantics<arbitrary>], iteration_bounds = array<i64: 5>, scalar_prefetch = 0 : i64, scratch_operands = 0 : i64, tpu.core_type = #tpu.core_type<tc>, window_params = [{transform_indices = @transform_0, window_bounds = array<i64: 2, 2000, 128>}, {transform_indices = @transform_1, window_bounds = array<i64: 2000, 128>}, {transform_indices = @transform_2, window_bounds = array<i64: 2000, 1>}, {pipeline_mode = #tpu.pipeline_mode<synchronous>, transform_indices = @transform_3, window_bounds = array<i64: 128, 128>}, {pipeline_mode = #tpu.pipeline_mode<synchronous>, transform_indices = @transform_4, window_bounds = array<i64: 1, 128>}, {transform_indices = @transform_5, window_bounds = array<i64: 2000, 128>}]} {
    %get3A = arith.constant 0 : index
    %get3A_0 = arith.constant 0 : index
    %get3A_1 = arith.constant 0 : index
    %get3A_2 = vector.load %arg1[%get3A, %get3A_0, %get3A_1] : memref<2x2000x128xf32, #tpu.memory_space<vmem>>, vector<1x2000x128xf32>
    %get3A_3 = vector.shape_cast %get3A_2 : vector<1x2000x128xf32> to vector<2000x128xf32>
    %get3A_4 = arith.constant 1 : index
    %get3A_5 = arith.constant 0 : index
    %get3A_6 = arith.constant 0 : index
    %get3A_7 = vector.load %arg1[%get3A_4, %get3A_5, %get3A_6] : memref<2x2000x128xf32, #tpu.memory_space<vmem>>, vector<1x2000x128xf32>
    %get3A_8 = vector.shape_cast %get3A_7 : vector<1x2000x128xf32> to vector<2000x128xf32>
    %add3A = arith.addf %get3A_3, %get3A_8 : vector<2000x128xf32>
    %get3A_9 = arith.constant 0 : index
    %get3A_10 = arith.constant 0 : index
    %get3A_11 = vector.load %arg2[%get3A_9, %get3A_10] : memref<2000x128xf32, #tpu.memory_space<vmem>>, vector<2000x128xf32>
    %sub3A = arith.subf %add3A, %get3A_11 : vector<2000x128xf32>
    %get3A_12 = arith.constant 0 : index
    %get3A_13 = arith.constant 0 : index
    %get3A_14 = vector.load %arg4[%get3A_12, %get3A_13] : memref<128x128xf32, #tpu.memory_space<vmem>>, vector<128x128xf32>
    %dot_general3A = arith.constant dense<0.000000e+00> : vector<2000x128xf32>
    %dot_general3A_15 = tpu.matmul %sub3A, %get3A_14, %dot_general3A {dimension_numbers = #tpu.dot_dimension_numbers<[1], [1], [0], [0], [0, 0, 1, 0], [], []>, transpose_lhs_hint = false} : vector<2000x128xf32>, vector<128x128xf32>, vector<2000x128xf32> -> vector<2000x128xf32>
    %get3A_16 = arith.constant 0 : index
    %get3A_17 = arith.constant 0 : index
    %get3A_18 = vector.load %arg5[%get3A_16, %get3A_17] : memref<1x128xf32, #tpu.memory_space<vmem>>, vector<1x128xf32>
    %add3A_19 = vector.broadcast %get3A_18 : vector<1x128xf32> to vector<2000x128xf32>
    %add3A_20 = arith.addf %dot_general3A_15, %add3A_19 : vector<2000x128xf32>
    %get3A_21 = arith.constant 0 : index
    %get3A_22 = arith.constant 0 : index
    %get3A_23 = vector.load %arg3[%get3A_21, %get3A_22] : memref<2000x1xf32, #tpu.memory_space<vmem>>, vector<2000x1xf32>
    %div3A = vector.broadcast %get3A_23 : vector<2000x1xf32> to vector<2000x128xf32>
    %div3A_24 = arith.divf %add3A_20, %div3A : vector<2000x128xf32>
    %tanh3A = math.tanh %div3A_24 : vector<2000x128xf32>
    %swap3A = arith.constant 0 : index
    %swap3A_25 = arith.constant 0 : index
    %swap3A_26 = vector.load %arg6[%swap3A, %swap3A_25] : memref<2000x128xf32, #tpu.memory_space<vmem>>, vector<2000x128xf32>
    tpu.vector_store %arg6[%swap3A, %swap3A_25], %tanh3A {strides = array<i32>} : memref<2000x128xf32, #tpu.memory_space<vmem>>, vector<2000x128xf32>,
    return
  }
  func.func @transform_0(%arg0: i32) -> (i32, i32, i32) {
    %c0_i32 = arith.constant 0 : i32
    %c0_i32_0 = arith.constant 0 : i32
    %c0_i32_1 = arith.constant 0 : i32
    return %c0_i32, %arg0, %c0_i32_0 : i32, i32, i32
  }
  func.func @transform_1(%arg0: i32) -> (i32, i32) {
    %c0_i32 = arith.constant 0 : i32
    %c0_i32_0 = arith.constant 0 : i32
    return %arg0, %c0_i32 : i32, i32
  }
  func.func @transform_2(%arg0: i32) -> (i32, i32) {
    %c0_i32 = arith.constant 0 : i32
    %c0_i32_0 = arith.constant 0 : i32
    return %arg0, %c0_i32 : i32, i32
  }
  func.func @transform_3(%arg0: i32) -> (i32, i32) {
    %c0_i32 = arith.constant 0 : i32
    %c0_i32_0 = arith.constant 0 : i32
    %c0_i32_1 = arith.constant 0 : i32
    return %c0_i32, %c0_i32_0 : i32, i32
  }
  func.func @transform_4(%arg0: i32) -> (i32, i32) {
    %c0_i32 = arith.constant 0 : i32
    %c0_i32_0 = arith.constant 0 : i32
    %c0_i32_1 = arith.constant 0 : i32
    return %c0_i32, %c0_i32_0 : i32, i32
  }
  func.func @transform_5(%arg0: i32) -> (i32, i32) {
    %c0_i32 = arith.constant 0 : i32
    %c0_i32_0 = arith.constant 0 : i32
    return %arg0, %c0_i32 : i32, i32
  }
}

</mosaic_0001>

<sc_bundles>
// kernel: kernel.4.cloned.1.call-start
scs
__scs_entry_jumppad:
0x0: {  	(pc) =	sbr.rel $0x88, $3  }
0x1: {  	(tag) =	ssettag $0x0;
	lr =	simm.s32 $0x1  }
0x2: {  	[smem:$0x3F9C] =	sst lr;
	_ =	strace $0xD0000000  }
0x3: {  	_ = 	snop  }
0x4: {  	_ = 	snop  }
0x5: {  	_ = 	snop  }
0x6: {  	_ = 	snop  }
0x7: {  	_ = 	snop  }
__scs_overlays_trampoline_lowered:
0x8: {  	[smem:$0x3FAB] =	sst s0  }
0x9: {  	[smem:$0x3FAC] =	sst s1  }
0xa: {  	[smem:$0x3FAD] =	sst s2  }
0xb: {  	[smem:$0x3FAE] =	sst s3  }
0xc: {  	[smem:$0x3FAF] =	sst s4  }
0xd: {  	[smem:$0x3FB0] =	sst s5  }
0xe: {  	[smem:$0x3FB1] =	sst s6  }
0xf: {  	[smem:$0x3FB2] =	sst s7  }
0x10: {  	[smem:$0x3FB3] =	sst s8  }
0x11: {  	[smem:$0x3FB4] =	sst s9;
	s0 =	simm.s32 @!p0 $0x0  }
0x12: {  	s1 =	sld [smem:$0x3F9A];
	s0 =	simm.s32 @p0 $0x1  }
0x13: {  	[smem:$0x3FB5] =	sst s0;
	s0 =	simm.s32 @!p1 $0x0  }
0x14: {  	s2 =	sld [smem:$0x3F99];
	s0 =	simm.s32 @p1 $0x1  }
0x15: {  	[smem:$0x3FB6] =	sst s0;
	s0 =	simm.s32 @!p2 $0x0  }
0x16: {  	s3 =	sld [smem:$0x3FDB];
	s0 =	simm.s32 @p2 $0x1  }
0x17: {  	s4 =	simm.s32 $0x1BF5;
	[smem:$0x3FB8] =	sst s0  }
0x18: {  	s0 =	sld [smem:$0x3F9B];
	_ =	swait.ge [sflag:s4], $0x0  }
0x19: {  	s7 =	sld [smem:$0x3F9C]  }
0x1a: {  	s8 =	sadd.s32 $0xFFFFE003, lr  }
0x1b: {  	s9 =	sadd.s32 $0xFFFFFEF7, lr;
	s5 =	simm.s32 $0xFFFFFFFF;
	p2 =	slt.u32 s8, $0xFFFFF086  }
0x1c: {  	p1 =	slt.u32 s9, $0xF7A;
	s5 =	simm.s32 @!p2 $0x0  }
0x1d: {  	s5 =	simm.s32 @p1 $0x1;
	p0 =	seq.s32 s7, s2  }
0x1e: {  	s7 =	smul.u32 @!p0 $0xF7A, s2;
	p2 =	seq.s32 @!p0 s5, $0x0  }
0x1f: {  	s9 =	smul.u32 $0xF7A, s1;
	s8 =	simm.s32 @!p0 $0x1BF5;
	p2 =	por !p2, p0  }
0x20: {  	[sflag:s8] =	ssyncset.s32 @!p0 $0xFFFFF086;
	s6 =	sadd.s32 @!p0 s3, s7;
	s7 =	simm.s32 @!p0 $0x108  }
0x21: {  	s3 =	sadd.s32 s3, s9;
	s6 =	sadd.s32 @!p0 $0x88, s6;
	s7 =	simm.s32 @p2 $0x1082  }
0x22: {  	[simem:s7], [sflag:s8] =	dma.local @!p0 [hbm:s6], $0xF7A  }
0x23: {  	s9 =	sor.u32 $0xD0000000, s2;
	s6 =	simm.s32 $0x108;
	_ =	swait.ge @!p0 [sflag:s8], $0x0  }
0x24: {  	s3 =	sadd.s32 $0x88, s3;
	s6 =	simm.s32 @!p1 $0x1082;
	[sflag:s4] =	ssyncset.s32 $0xFFFFF086  }
0x25: {  	[simem:s6], [sflag:s4] =	dma.local [hbm:s3], $0xF7A  }
0x26: {  	[smem:$0x3F9C] =	sst s1;
	(tag) =	ssettag s2;
	_ =	strace s9  }
0x27: {  	s1 =	sld [smem:$0x3FAC]  }
0x28: {  	s2 =	sld [smem:$0x3FAD]  }
0x29: {  	s4 =	sld [smem:$0x3FAF]  }
0x2a: {  	p0 =	seq.s32 s5, $0x0;
	s5 =	sld [smem:$0x3FB0]  }
0x2b: {  	s6 =	sld [smem:$0x3FB1]  }
0x2c: {  	s7 =	sld [smem:$0x3FB2]  }
0x2d: {  	s3 =	simm.s32 $0x108;
	s8 =	sld [smem:$0x3FB3]  }
0x2e: {  	s3 =	simm.s32 @!p0 $0x1082;
	s9 =	sld [smem:$0x3FB4]  }
0x2f: {  	lr =	sadd.s32 s0, s3;
	s0 =	sld [smem:$0x3FAB]  }
0x30: {  	s3 =	sld [smem:$0x3FAE]  }
0x31: {  	[smem:$0x3FB7] =	sst s10  }
0x32: {  	s10 =	sld [smem:$0x3FB5];
	_ =	sdelay $0x3  }
0x33: {  	p0 =	seq.s32 s10, $0x1;
	s10 =	sld [smem:$0x3FB7];
	_ =	sdelay $0x3  }
0x34: {  	[smem:$0x3FB7] =	sst s10  }
0x35: {  	s10 =	sld [smem:$0x3FB6];
	_ =	sdelay $0x3  }
0x36: {  	p1 =	seq.s32 s10, $0x1;
	s10 =	sld [smem:$0x3FB7];
	_ =	sdelay $0x3  }
0x37: {  	[smem:$0x3FB7] =	sst s10  }
0x38: {  	s10 =	sld [smem:$0x3FB8]  }
0x39: {  	_ = 	snop;
	(pc) =	sbr.ind lr, $3  }
0x3a: {  	_ = 	snop  }
0x3b: {  	_ = 	snop  }
0x3c: {  	p2 =	seq.s32 s10, $0x1;
	s10 =	sld [smem:$0x3FB7]  }
0x3d: {  	_ =	shalt  }
0x3e: {  	_ =	shalt  }
0x3f: {  	_ =	shalt  }
0x40: {  	_ =	shalt  }
0x41: {  	_ =	shalt  }
0x42: {  	_ =	shalt  }
0x43: {  	_ =	shalt  }
0x44: {  	_ =	shalt  }
0x45: {  	_ =	shalt  }
0x46: {  	_ =	shalt  }
0x47: {  	_ =	shalt  }
0x48: {  	_ =	shalt  }
0x49: {  	_ =	shalt  }
0x4a: {  	_ =	shalt  }
0x4b: {  	_ =	shalt  }
0x4c: {  	_ =	shalt  }
0x4d: {  	_ =	shalt  }
0x4e: {  	_ =	shalt  }
0x4f: {  	_ =	shalt  }
0x50: {  	_ =	shalt  }
0x51: {  	_ =	shalt  }
0x52: {  	_ =	shalt  }
0x53: {  	_ =	shalt  }
0x54: {  	_ =	shalt  }
0x55: {  	_ =	shalt  }
0x56: {  	_ =	shalt  }
0x57: {  	_ =	shalt  }
0x58: {  	_ =	shalt  }
0x59: {  	_ =	shalt  }
0x5a: {  	_ =	shalt  }
0x5b: {  	_ =	shalt  }
0x5c: {  	_ =	shalt  }
0x5d: {  	_ =	shalt  }
0x5e: {  	_ =	shalt  }
0x5f: {  	_ =	shalt  }
0x60: {  	_ =	shalt  }
0x61: {  	_ =	shalt  }
0x62: {  	_ =	shalt  }
0x63: {  	_ =	shalt  }
0x64: {  	_ =	shalt  }
0x65: {  	_ =	shalt  }
0x66: {  	_ =	shalt  }
0x67: {  	_ =	shalt  }
0x68: {  	_ =	shalt  }
0x69: {  	_ =	shalt  }
0x6a: {  	_ =	shalt  }
0x6b: {  	_ =	shalt  }
0x6c: {  	_ =	shalt  }
0x6d: {  	_ =	shalt  }
0x6e: {  	_ =	shalt  }
0x6f: {  	_ =	shalt  }
0x70: {  	_ =	shalt  }
0x71: {  	_ =	shalt  }
0x72: {  	_ =	shalt  }
0x73: {  	_ =	shalt  }
0x74: {  	_ =	shalt  }
0x75: {  	_ =	shalt  }
0x76: {  	_ =	shalt  }
0x77: {  	_ =	shalt  }
0x78: {  	_ =	shalt  }
0x79: {  	_ =	shalt  }
0x7a: {  	_ =	shalt  }
0x7b: {  	_ =	shalt  }
0x7c: {  	_ =	shalt  }
0x7d: {  	_ =	shalt  }
0x7e: {  	_ =	shalt  }
0x7f: {  	_ =	shalt  }
0x80: {  	_ =	shalt  }
0x81: {  	_ =	shalt  }
0x82: {  	_ =	shalt  }
0x83: {  	_ =	shalt  }
0x84: {  	_ =	shalt  }
0x85: {  	_ =	shalt  }
0x86: {  	_ =	shalt  }
0x87: {  	_ =	shalt  }
.Lfunc_end0:
.L_simem_size_0:
called_computation_lowered:
.L_overlay_start_0:
0x88: {  	s2 =	sld [smem:$0x3FD9]  }
0x89: {  	s3 =	sld [smem:$0x3FFE];
	_ =	sdelay $0x1  }
0x8a: {  	s1 =	srdreg.scid  }
0x8b: {  	s0 =	sand.u32 $0x1, s1  }
0x8c: {  	s17 =	sshll.u32 s0, $0xA;
	s2 =	sadd.s32 s3, s2  }
0x8d: {  	s2 =	sadd.s32 s2, s17  }
0x8e: {  	[smem:$0x3FC3] =	sst s2  }
0x8f: {  	_ = 	snop  }
0x90: {  	s2 =	sld [smem:$0x3FC9]  }
0x91: {  	s18 =	sld [smem:$0x3FD0];
	(tm) =	ssettm $0x1  }
0x92: {  	s4 =	sld [smem:$0x3FFB];
	_ =	sdelay $0x3  }
0x93: {  	_ =	strace s4  }
0x94: {  	s4 =	sld [smem:$0x3FFC];
	_ =	sdelay $0x3  }
0x95: {  	_ =	strace s4  }
0x96: {  	s4 =	sld [smem:$0x3FFD];
	_ =	sdelay $0x3  }
0x97: {  	_ =	strace s4  }
0x98: {  	_ =	strace $0x8FFFFFFF  }
0x99: {  	s19 =	sld [smem:$0x3FDB];
	_ =	sdelay $0x1  }
0x9a: {  	s5 =	simm.s32 $_scs_section_size  }
0x9b: {  	s6 =	simm.s32 $_size__tile_overlayer_lowered;
	s7 =	simm.s32 $_tile_overlayer_lowered  }
0x9c: {  	s22 =	simm.s32 $0x1BFF;
	s21 =	sshll.u32 s7, $0x1;
	s4 =	sadd.s32 s5, s19  }
0x9d: {  	s8 =	simm.s32 $0x0;
	s20 =	sshll.u32 s6, $0x1;
	s6 =	sadd.s32 s21, s4  }
0x9e: {  	[timem:s8], [sflag:s22] =	dma.local [hbm:s6], s20  }
0x9f: {  	_ =	swait.ge [sflag:s22], s20  }
0xa0: {  	s5 =	ssub.s32 $0x0, s20;
	[sflag:s22] =	ssyncset.done $0x0  }
0xa1: {  	[sflag:s22] =	ssyncadd.s32 s5;
	_ =	sdelay $0x1  }
0xa2: {  	s23 =	simm.s32 $0x1B8B  }
0xa3: {  	_ =	swait.ge [sflag:s23], $0x1  }
0xa4: {  	[sflag:s23] =	ssyncset.done $0x0  }
0xa5: {  	s25 =	simm.s32 $0x1B8E;
	s24 =	sld [smem:$0x3FFE];
	[sflag:s23] =	ssyncadd.s32 $0xFFFFFFFF  }
0xa6: {  	s26 =	simm.s32 $execute0_lowered;
	[smem:$0x3FD2] =	sst s25  }
0xa7: {  	s6 =	sshll.u32 s26, $0x1;
	_ =	strace $0x80000046;
	[dreg:$0x1] =	wrdreg $0xFFFFFFFF  }
0xa8: {  	s28 =	simm.s32 $_size_execute0_lowered;
	s4 =	sadd.s32 s4, s6;
	[dreg:$0x0] =	wrdreg $0x0  }
0xa9: {  	s6 =	sshll.u32 s28, $0x1;
	[dreg:$0x2] =	wrdreg s4  }
0xaa: {  	[dreg:$0x3] =	wrdreg s6  }
0xab: {  	[dreg:$0x4] =	wrdreg $0xC0  }
0xac: {  	_ =	task [dreg:s8], $0x5FFFF  }
0xad: {  	[dreg:$0x1] =	wrdreg $0xFFFFFFFF  }
0xae: {  	[dreg:$0x0] =	wrdreg $0x60  }
0xaf: {  	[dreg:$0x2] =	wrdreg s2  }
0xb0: {  	[dreg:$0x3] =	wrdreg s18  }
0xb1: {  	[dreg:$0x4] =	wrdreg s24  }
0xb2: {  	[dreg:$0x5] =	wrdreg $0xA8000  }
0xb3: {  	[dreg:$0x6] =	wrdreg $0x9  }
0xb4: {  	_ =	task.clear_ibuf [dreg:s8], $0x7FFFF;
	_ =	strace $0x90000046  }
0xb5: {  	s29 =	simm.s32 $0x9;
	_ =	strace $0x80000048  }
0xb6: {  	_ =	swait.ge [sflag:s29], $0x1  }
0xb7: {  	[sflag:s29] =	ssyncadd.s32 $0xFFFFFFFF  }
0xb8: {  	_ =	strace $0x90000048  }
0xb9: {  	_ =	sfence  }
0xba: {  	s30 =	sld [smem:$0x0];
	_ =	sdelay $0x2  }
0xbb: {  	s31 =	sshll.u32 s1, $0xD;
	s1 =	sshrl.u32 s1, $0x2  }
0xbc: {  	s3 =	sand.u32 $0x4000, s31;
	s1 =	sadd.s32 s1, s30  }
0xbd: {  	s0 =	sor.u32 s3, s0;
	s1 =	sshll.u32 s1, $0x11  }
0xbe: {  	s0 =	sor.u32 s1, s0  }
0xbf: {  	s0 =	sadd.s32 $0x8F2B, s0  }
0xc0: {  	[sflag:s0] =	ssyncadd.remote.s32 $0x1  }
0xc1: {  	_ =	sfence.sel $0xFFFF  }
0xc2: {  	[dreg:$0x0] =	wrdreg $0xFFFFFFFF;
	(pc) =	sbr.abs _section_cstart, $3  }
0xc3: {  	[dreg:$0x1] =	wrdreg $0xFFFFFFFF  }
0xc4: {  	_ =	task.clear_ibuf [dreg:s8], $0x2FFFF;
	_ =	strace $0x9FFFFFFF  }
0xc5: {  	(tm) =	ssettm $0x7FFFFFFF  }
tec
execute0_lowered:
.L_overlay_start_1:
0x0: {  	(tag) =	ssettag $0x1  }
0x1: {  	s1 =	rddreg [dreg:$0x0]  }
0x2: {  	s5 =	rddreg [dreg:$0x1]  }
0x3: {  	s6 =	rddreg [dreg:$0x2]  }
0x4: {  	s3 =	rddreg [dreg:$0x3]  }
0x5: {  	s0 =	rddreg [dreg:$0x4];
	s7 =	srdreg.scid  }
0x6: {  	s4 =	simm.s32 $0x0;
	s2 =	stileid.u32;
	s17 =	simm.s32 $0x50  }
0x7: {  	s18 =	simm.s32 $0x8000;
	s19 =	simm.s32 $0x1;
	s20 =	simm.s32 $0x0  }
0x8: {  	s7 =	sand.u32 $0x1, s7;
	[smem:$0x7FF] =	sst s4;
	s12 =	smul.u32 $0x4E000, s2  }
0x9: {  	s9 =	sshll.u32 s2, $0xB;
	s13 =	sadd.s32 $0x10C00, s6;
	s24 =	smul.u32 $0x13800, s2  }
0xa: {  	s16 =	sadd.s32 $0x138000, s3;
	p0 =	sne.s32 s2, $0xF;
	s14 =	sshll.u32 s2, $0x6  }
0xb: {  	s8 =	sshll.u32 s7, $0xF;
	_ =	strace $0x80000047;
	s23 =	ssub.s32 $0x2, s7  }
0xc: {  	s26 =	smul.u32 $0x138800, s7;
	s14 =	sor.u32 $0x1C02, s14;
	s16 =	sshrl.u32 @!p0 s16, $0x3  }
0xd: {  	s8 =	sor.u32 s9, s8;
	s11 =	sshrl.u32 s23, $0x1;
	s25 =	sshrl.u32 s12, $0x2  }
0xe: {  	s28 =	sshrl.u32 s24, $0x3;
	s10 =	sadd.s32 s8, s6;
	s11 =	ssub.s32 s23, s11  }
0xf: {  	s5 =	sadd.s32 s5, s8;
	s15 =	sadd.s32 s25, s3;
	s7 =	sadd.s32 s1, s28  }
0x10: {  	s29 =	sadd.s32 s24, s26;
	s30 =	sshrl.u32 s26, $0x3;
	s8 =	sadd.s32 $0x27000, s1  }
0x11: {  	s6 =	sadd.s32 $0xC00, s10;
	s31 =	sshrl.u32 s29, $0x3;
	s12 =	sadd.s32 s13, s30  }
0x12: {  	s11 =	smax.u32 s11, $0x1;
	s15 =	sshrl.u32 s15, $0x3;
	s9 =	sadd.s32 s13, s31  }
0x13: {  	s10 =	sadd.s32 $0x27000, s12;
	s12 =	simm.s32 $0x2;
	s13 =	simm.s32 $0x4000  }
.LBB2_1:
0x14: {  	[tilespmem:s4], [sflag:$0x2] =	stream.linear.gather [hbm4b:s5+s4], $0x3E80, $0x38;
	[tilespmem:$0x1E080] =	vst v63  }
0x15: {  	_ =	swait.ge [sflag:s12], $0x3E80  }
0x16: {  	[sflag:s12] =	ssyncset.done $0x0  }
0x17: {  	[sflag:s12] =	ssyncadd.s32 $0xFFFFC180  }
0x18: {  	[tilespmem:s13], [sflag:$0x2] =	stream.linear.gather [hbm4b:s6+s4], $0x3E80, $0x38;
	[tilespmem:$0x1E080] =	vst v63  }
0x19: {  	_ =	swait.ge [sflag:s12], $0x3E80  }
0x1a: {  	[sflag:s12] =	ssyncset.done $0x0  }
0x1b: {  	[sflag:s12] =	ssyncadd.s32 $0xFFFFC180  }
0x1c: {  	[spmem:s15], [sflag:s14] =	dma.local [hbm:s7], $0x2700  }
0x1d: {  	_ =	swait.ge [sflag:s12], $0x2700  }
0x1e: {  	[sflag:s12] =	ssyncset.done $0x0  }
0x1f: {  	s21 =	simm.s32 @!p0 $0x2;
	[sflag:s12] =	ssyncadd.s32 $0xFFFFD900  }
0x20: {  	[spmem:s16], [sflag:s14] =	dma.local @!p0 [hbm:s8], $0x100  }
0x21: {  	_ =	swait.ge @!p0 [sflag:s21], $0x100  }
0x22: {  	[sflag:s21] =	ssyncset.done @!p0 $0x0  }
0x23: {  	[sflag:s21] =	ssyncadd.s32 @!p0 $0xFFFFFF00  }
0x24: {  	s30 =	simm.s32 $0x0;
	[bflag:$0x0] =	sbarrier.arrive $0xFFFF  }
0x25: {  	[tilespmem:s18], [sflag:$0x1] =	stream.indirect.gather [hbm4b:s1+s17], $0x80, s30, s17, $0xb8;
	[tilespmem:$0x1E080] =	vst v63  }
0x26: {  	_ =	swait.ge [sflag:s19], $0x2800  }
0x27: {  	[sflag:s19] =	ssyncset.done $0x0  }
0x28: {  	s31 =	simm.s32 $0x4000;
	[sflag:s19] =	ssyncadd.s32 $0xFFFFD800  }
0x29: {  	[spmem:s3] =	stream.indirect.scatter.add.f32 [tilespmem:s18], [sflag:$0x2], $0x80, s31, s17, $0xb8;
	[tilespmem:$0x1E080] =	vst v63  }
0x2a: {  	_ =	swait.ge [sflag:s12], $0x2800  }
0x2b: {  	s22 =	simm.s32 $0x400;
	s21 =	simm.s32 $0x200;
	[sflag:s12] =	ssyncset.done $0x0  }
.LBB2_2:
0x2c: {  	s23 =	sshra.s32 s21, $0x2  }
0x2d: {  	[sflag:s12] =	ssyncadd.s32 $0xFFFFD800;
	s21 =	smov.u32 s22;
	s24 =	sadd.s32 $0x200, s22  }
0x2e: {  	[tilespmem:s18], [sflag:$0x1] =	stream.indirect.gather [hbm4b:s1+s17], $0x80, s23, s17, $0xb8;
	[tilespmem:$0x1E080] =	vst v63  }
0x2f: {  	p1 =	sne.s32 s22, $0xF800;
	_ =	swait.ge [sflag:s19], $0x2800  }
.Ltmp0:
0x30: {  	[sflag:s19] =	ssyncset.done $0x0;
	(pc) =	sbr.rel @p1 .LBB2_2-.Ltmp0, $4  }
0x31: {  	s22 =	sadd.s32 $0x4000, s23;
	[sflag:s19] =	ssyncadd.s32 $0xFFFFD800  }
0x32: {  	[spmem:s3] =	stream.indirect.scatter.add.f32 [tilespmem:s18], [sflag:$0x2], $0x80, s22, s17, $0xb8;
	[tilespmem:$0x1E080] =	vst v63  }
0x33: {  	_ =	swait.ge [sflag:s12], $0x2800  }
0x34: {  	s22 =	smov.u32 s24;
	[sflag:s12] =	ssyncset.done $0x0  }
0x35: {  	s21 =	sshra.s32 s21, $0x2;
	[sflag:s12] =	ssyncadd.s32 $0xFFFFD800  }
0x36: {  	[tilespmem:s18], [sflag:$0x1] =	stream.indirect.gather [hbm4b:s1+s17], $0x80, s21, s17, $0xb8;
	[tilespmem:$0x1E080] =	vst v63  }
0x37: {  	_ =	swait.ge [sflag:s19], $0x2800  }
0x38: {  	[sflag:s19] =	ssyncset.done $0x0  }
0x39: {  	s21 =	sadd.s32 $0x4000, s21;
	[sflag:s19] =	ssyncadd.s32 $0xFFFFD800  }
0x3a: {  	[spmem:s3] =	stream.indirect.scatter.add.f32 [tilespmem:s18], [sflag:$0x2], $0x80, s21, s17, $0xb8;
	[tilespmem:$0x1E080] =	vst v63  }
0x3b: {  	_ =	swait.ge [sflag:s12], $0x2800  }
0x3c: {  	[sflag:s12] =	ssyncset.done $0x0  }
0x3d: {  	[sflag:s12] =	ssyncadd.s32 $0xFFFFD800  }
0x3e: {  	[bflag:$0x0] =	sbarrier.arrive $0xFFFF  }
0x3f: {  	[hbm:s9], [sflag:s14] =	dma.local [spmem:s15], $0x2700  }
0x40: {  	s20 =	sadd.s32 $0x1, s20;
	_ =	swait.ge [sflag:s12], $0x2700  }
0x41: {  	p1 =	sne.s32 s20, s11;
	[sflag:s12] =	ssyncset.done $0x0  }
.Ltmp1:
0x42: {  	s21 =	simm.s32 @!p0 $0x2;
	[sflag:s12] =	ssyncadd.s32 $0xFFFFD900;
	(pc) =	sbr.rel @p1 .LBB2_1-.Ltmp1, $4  }
0x43: {  	[hbm:s10], [sflag:s14] =	dma.local @!p0 [spmem:s16], $0x100  }
0x44: {  	_ =	swait.ge @!p0 [sflag:s21], $0x100  }
0x45: {  	[sflag:s21] =	ssyncset.done @!p0 $0x0  }
0x46: {  	[sflag:s21] =	ssyncadd.s32 @!p0 $0xFFFFFF00  }
0x47: {  	_ =	sfence.sel $0x180000  }
0x48: {  	[bflag:$0x0] =	sbarrier.arrive $0xFFFF  }
0x49: {  	p0 =	sne.s32 s2, $0x0;
	_ =	strace $0x90000047  }
0x4a: {  	s0 =	sadd.s32 @!p0 $0x100000, s0;
	[bflag:$0x2] =	sbarrier.arrive $0xFFFF  }
0x4b: {  	[sflag:s0] =	ssyncadd.tile.s32 @!p0 $0x1;
	_ =	shalt  }
.Lfunc_end2:
_tile_overlayer_lowered:
.L_overlay_start_2:
0x4c: {  	(tag) =	ssettag $0x2  }
0x4d: {  	s0 =	rddreg [dreg:$0x0];
	s2 =	stileid.u32  }
0x4e: {  	s1 =	rddreg [dreg:$0x1];
	p0 =	sne.s32 s2, $0x0  }
0x4f: {  	s3 =	rddreg [dreg:$0x2];
	[bflag:$0x3] =	sbarrier.arrive $0xFFFF;
	s2 =	simm.s32 @!p0 $0x1C02  }
0x50: {  	[timem:s3], [sflag:s2] =	dma.local @!p0 [hbm:s0], s1  }
0x51: {  	s0 =	simm.s32 @!p0 $0x2  }
0x52: {  	_ =	swait.ge @!p0 [sflag:s0], s1  }
0x53: {  	s1 =	ssub.s32 @!p0 $0x0, s1;
	[sflag:s0] =	ssyncset.done @!p0 $0x0  }
0x54: {  	[sflag:s0] =	ssyncadd.s32 @!p0 s1  }
0x55: {  	[bflag:$0x3] =	sbarrier.arrive $0xFFFF  }
0x56: {  	_ =	shalt  }

</sc_bundles>
